<compile_context>
chip_gen: v7x
topology: tpu7x:2x2x1
jax: 0.10.2.dev20260603
libtpu: 0.0.44.dev20260713+nightly
codegen_flags: <defaults>
</compile_context>

<pallas_src>
import jax
import jax.numpy as jnp
from jax import lax
from jax.experimental import pallas as pl
from jax.experimental.pallas import tpu as pltpu
from jax.experimental.pallas import tpu_sc as plsc

_N = 100000
_S = 64
_L = 16
_NC = 2
_NS = 16
_NW = _NC * _NS
_CHUNK = 3200
_H1 = 1664
_H2 = _CHUNK - _H1
_ALIGNED = 99968
_TAIL = _N - _ALIGNED
_LAST_BASE = _ALIGNED - _CHUNK


def _sc_body(x_hbm, idx_hbm, shifts_hbm, scales_hbm, xt_hbm,
             out_hbm, tail_hbm,
             idx_v, x_v, o_v, sh_v, sc_v, idx_t_v, x_t_v, t_v, sem):
    wid = lax.axis_index("s") * _NC + lax.axis_index("c")
    base = jnp.minimum(wid * _CHUNK, _LAST_BASE)

    c1 = pltpu.async_copy(shifts_hbm, sh_v, sem)
    c2 = pltpu.async_copy(scales_hbm, sc_v, sem)
    c3 = pltpu.async_copy(idx_hbm.at[pl.ds(base, _H1)],
                          idx_v.at[pl.ds(0, _H1)], sem)
    c4 = pltpu.async_copy(x_hbm.at[0, pl.ds(base, _H1)],
                          x_v.at[pl.ds(0, _H1)], sem)
    c5 = pltpu.async_copy(idx_hbm.at[pl.ds(base + _H1, _H2)],
                          idx_v.at[pl.ds(_H1, _H2)], sem)
    c6 = pltpu.async_copy(x_hbm.at[0, pl.ds(base + _H1, _H2)],
                          x_v.at[pl.ds(_H1, _H2)], sem)
    c1.wait()
    c2.wait()
    c3.wait()
    c4.wait()

    @plsc.parallel_loop(0, _H1, step=_L, unroll=4)
    def _step_lo(o):
        iv = idx_v[pl.ds(o, _L)]
        xv = x_v[pl.ds(o, _L)]
        sh = plsc.load_gather(sh_v, [iv])
        sc = plsc.load_gather(sc_v, [iv])
        o_v[pl.ds(o, _L)] = sh + sc * xv

    c5.wait()
    c6.wait()

    @plsc.parallel_loop(_H1, _CHUNK, step=_L, unroll=4)
    def _step_hi(o):
        iv = idx_v[pl.ds(o, _L)]
        xv = x_v[pl.ds(o, _L)]
        sh = plsc.load_gather(sh_v, [iv])
        sc = plsc.load_gather(sc_v, [iv])
        o_v[pl.ds(o, _L)] = sh + sc * xv

    pltpu.sync_copy(o_v, out_hbm.at[0, pl.ds(base, _CHUNK)])

    @pl.when(wid == _NW - 1)
    def _tail():
        ct1 = pltpu.async_copy(idx_hbm.at[pl.ds(_ALIGNED, _TAIL)],
                               idx_t_v, sem)
        ct2 = pltpu.async_copy(xt_hbm.at[0], x_t_v, sem)
        ct1.wait()
        ct2.wait()

        @plsc.parallel_loop(0, _TAIL, step=_L)
        def _step_t(o):
            iv = idx_t_v[pl.ds(o, _L)]
            xv = x_t_v[pl.ds(o, _L)]
            sh = plsc.load_gather(sh_v, [iv])
            sc = plsc.load_gather(sc_v, [iv])
            t_v[pl.ds(o, _L)] = sh + sc * xv

        pltpu.sync_copy(t_v, tail_hbm.at[0])


@jax.jit
def _sc_shift(x_row, idx, shifts, scales, x_tail):
    mesh = plsc.VectorSubcoreMesh(core_axis_name="c", subcore_axis_name="s")
    fn = pl.kernel(
        _sc_body,
        out_type=(jax.ShapeDtypeStruct((1, _N), jnp.float32),
                  jax.ShapeDtypeStruct((1, _TAIL), jnp.float32)),
        mesh=mesh,
        scratch_types=[
            pltpu.VMEM((_CHUNK,), jnp.int32),
            pltpu.VMEM((_CHUNK,), jnp.float32),
            pltpu.VMEM((_CHUNK,), jnp.float32),
            pltpu.VMEM((_S,), jnp.float32),
            pltpu.VMEM((_S,), jnp.float32),
            pltpu.VMEM((_TAIL,), jnp.int32),
            pltpu.VMEM((_TAIL,), jnp.float32),
            pltpu.VMEM((_TAIL,), jnp.float32),
            pltpu.SemaphoreType.DMA,
        ],
        compiler_params=pltpu.CompilerParams(needs_layout_passes=False),
    )
    return fn(x_row, idx, shifts, scales, x_tail)


def kernel(x, species_idx, shifts, scales):
    x_row = x.reshape(1, _N)
    x_tail = lax.slice(x, (_ALIGNED, 0), (_N, 1)).reshape(1, _TAIL)
    out, tail = _sc_shift(x_row, species_idx.astype(jnp.int32),
                          shifts, scales, x_tail)
    out = lax.dynamic_update_slice(out, tail, (0, _ALIGNED))
    return out.reshape(_N, 1)

# --- scband reference (transcript-rebuilt; emitter-appended) ---
"""Pipeline reference for scband-per-species-shift-15307263443065 (READ-ONLY COPY).

The authoritative reference and input builder live on the scoring server;
editing this copy changes nothing except your own understanding.
"""

import jax, jax.numpy as jnp
import numpy as np

N = 100000
S = 64

def setup_inputs(seed: int = 0) -> dict:
    key = jax.random.key(seed)
    k1, k2, k3, k4 = jax.random.split(key, 4)
    x = jax.random.normal(k1, (N, 1), dtype=jnp.float32)
    species_idx = jax.random.randint(k2, (N,), 0, S)
    # learned per-species parameters (trainable=True path)
    shifts = jax.random.normal(k3, (S,), dtype=jnp.float32)
    scales = jax.random.normal(k4, (S,), dtype=jnp.float32) * 0.1 + 1.0
    return {"x": x, "species_idx": species_idx, "shifts": shifts, "scales": scales}

def reference(x, species_idx, shifts, scales):
    # data[out_field] = shifts[species_idx] + scales[species_idx] * data[field]
    sh = jnp.take(shifts, species_idx, axis=0)[:, None]  # [N, 1]
    sc = jnp.take(scales, species_idx, axis=0)[:, None]  # [N, 1]
    return sh + sc * x

if __name__ == "__main__":
    import jax
    _d = setup_inputs()
    print(jax.jit(kernel)(*tuple(_d.values())))

</pallas_src>

<mosaic_0001>
#map = affine_map<(d0, d1) -> (0, 0)>
#map1 = affine_map<(d0, d1) -> (0)>
module attributes {stable_mosaic.version = 14 : i64} {
  func.func @_sc_body(%arg0: i32, %arg1: i32, %arg2: memref<1x100000xf32, #tpu.memory_space<hbm>>, %arg3: memref<100000xi32, #tpu.memory_space<hbm>>, %arg4: memref<64xf32, #tpu.memory_space<hbm>>, %arg5: memref<64xf32, #tpu.memory_space<hbm>>, %arg6: memref<1x32xf32, #tpu.memory_space<hbm>>, %arg7: memref<1x100000xf32, #tpu.memory_space<hbm>>, %arg8: memref<1x32xf32, #tpu.memory_space<hbm>>, %arg9: memref<3200xi32, #tpu.memory_space<vmem>>, %arg10: memref<3200xf32, #tpu.memory_space<vmem>>, %arg11: memref<3200xf32, #tpu.memory_space<vmem>>, %arg12: memref<64xf32, #tpu.memory_space<vmem>>, %arg13: memref<64xf32, #tpu.memory_space<vmem>>, %arg14: memref<32xi32, #tpu.memory_space<vmem>>, %arg15: memref<32xf32, #tpu.memory_space<vmem>>, %arg16: memref<32xf32, #tpu.memory_space<vmem>>, %arg17: memref<!tpu.dma_semaphore, #tpu.memory_space<semaphore_mem>>) attributes {dimension_semantics = [#tpu.dimension_semantics<core_parallel>, #tpu.dimension_semantics<subcore_parallel>], iteration_bounds = array<i64: 2, 16>, scalar_prefetch = 0 : i64, scratch_operands = 9 : i64, tpu.core_type = #tpu.core_type<sc_vector_subcore>, window_params = [{transform_indices = #map}, {transform_indices = #map1}, {transform_indices = #map1}, {transform_indices = #map1}, {transform_indices = #map}, {transform_indices = #map}, {transform_indices = #map}]} {
    %mul3A = arith.constant 2 : i32
    %mul3A_0 = arith.muli %arg1, %mul3A : i32
    %add3A = arith.addi %mul3A_0, %arg0 : i32
    %mul3A_1 = arith.constant 3200 : i32
    %mul3A_2 = arith.muli %add3A, %mul3A_1 : i32
    %min3A = arith.constant 96768 : i32
    %min3A_3 = arith.minsi %mul3A_2, %min3A : i32
    tpu.enqueue_dma source(%arg4 : memref<64xf32, #tpu.memory_space<hbm>>) target(%arg12 : memref<64xf32, #tpu.memory_space<vmem>>) target_semaphore(%arg17 : memref<!tpu.dma_semaphore, #tpu.memory_space<semaphore_mem>>)
    tpu.enqueue_dma source(%arg5 : memref<64xf32, #tpu.memory_space<hbm>>) target(%arg13 : memref<64xf32, #tpu.memory_space<vmem>>) target_semaphore(%arg17 : memref<!tpu.dma_semaphore, #tpu.memory_space<semaphore_mem>>)
    %dma_start3A = arith.constant 0 : i32
    %dma_start3A_4 = tpu.memref_slice %arg9[%dma_start3A] : memref<3200xi32, #tpu.memory_space<vmem>> -> memref<1664xi32, #tpu.memory_space<vmem>>
    %dma_start3A_5 = tpu.memref_slice %arg3[%min3A_3] : memref<100000xi32, #tpu.memory_space<hbm>> -> memref<1664xi32, #tpu.memory_space<hbm>>
    %dma_start3A_6 = arith.constant 0 : i32
    %dma_start3A_7 = tpu.memref_slice %arg9[%dma_start3A_6] : memref<3200xi32, #tpu.memory_space<vmem>> -> memref<1664xi32, #tpu.memory_space<vmem>>
    %dma_start3A_8 = tpu.memref_slice %arg3[%min3A_3] : memref<100000xi32, #tpu.memory_space<hbm>> -> memref<1664xi32, #tpu.memory_space<hbm>>
    tpu.enqueue_dma source(%dma_start3A_8 : memref<1664xi32, #tpu.memory_space<hbm>>) target(%dma_start3A_7 : memref<1664xi32, #tpu.memory_space<vmem>>) target_semaphore(%arg17 : memref<!tpu.dma_semaphore, #tpu.memory_space<semaphore_mem>>)
    %dma_start3A_9 = arith.constant 0 : i32
    %dma_start3A_10 = arith.constant 0 : i32
    %dma_start3A_11 = tpu.memref_slice %arg10[%dma_start3A_10] : memref<3200xf32, #tpu.memory_space<vmem>> -> memref<1664xf32, #tpu.memory_space<vmem>>
    %dma_start3A_12 = tpu.memref_slice %arg2[%dma_start3A_9, %min3A_3] : memref<1x100000xf32, #tpu.memory_space<hbm>> -> memref<1x1664xf32, #tpu.memory_space<hbm>>
    %dma_start3A_13 = tpu.memref_squeeze %dma_start3A_12 : memref<1x1664xf32, #tpu.memory_space<hbm>> -> memref<1664xf32, #tpu.memory_space<hbm>>
    %dma_start3A_14 = arith.constant 0 : i32
    %dma_start3A_15 = tpu.memref_slice %arg10[%dma_start3A_14] : memref<3200xf32, #tpu.memory_space<vmem>> -> memref<1664xf32, #tpu.memory_space<vmem>>
    %dma_start3A_16 = tpu.memref_slice %arg2[%dma_start3A_9, %min3A_3] : memref<1x100000xf32, #tpu.memory_space<hbm>> -> memref<1x1664xf32, #tpu.memory_space<hbm>>
    %dma_start3A_17 = tpu.memref_squeeze %dma_start3A_16 : memref<1x1664xf32, #tpu.memory_space<hbm>> -> memref<1664xf32, #tpu.memory_space<hbm>>
    tpu.enqueue_dma source(%dma_start3A_17 : memref<1664xf32, #tpu.memory_space<hbm>>) target(%dma_start3A_15 : memref<1664xf32, #tpu.memory_space<vmem>>) target_semaphore(%arg17 : memref<!tpu.dma_semaphore, #tpu.memory_space<semaphore_mem>>)
    %add3A_18 = arith.constant 1664 : i32
    %add3A_19 = arith.addi %min3A_3, %add3A_18 : i32
    %dma_start3A_20 = arith.constant 1664 : i32
    %dma_start3A_21 = tpu.memref_slice %arg9[%dma_start3A_20] : memref<3200xi32, #tpu.memory_space<vmem>> -> memref<1536xi32, #tpu.memory_space<vmem>>
    %dma_start3A_22 = tpu.memref_slice %arg3[%add3A_19] : memref<100000xi32, #tpu.memory_space<hbm>> -> memref<1536xi32, #tpu.memory_space<hbm>>
    %dma_start3A_23 = arith.constant 1664 : i32
    %dma_start3A_24 = tpu.memref_slice %arg9[%dma_start3A_23] : memref<3200xi32, #tpu.memory_space<vmem>> -> memref<1536xi32, #tpu.memory_space<vmem>>
    %dma_start3A_25 = tpu.memref_slice %arg3[%add3A_19] : memref<100000xi32, #tpu.memory_space<hbm>> -> memref<1536xi32, #tpu.memory_space<hbm>>
    tpu.enqueue_dma source(%dma_start3A_25 : memref<1536xi32, #tpu.memory_space<hbm>>) target(%dma_start3A_24 : memref<1536xi32, #tpu.memory_space<vmem>>) target_semaphore(%arg17 : memref<!tpu.dma_semaphore, #tpu.memory_space<semaphore_mem>>)
    %add3A_26 = arith.constant 1664 : i32
    %add3A_27 = arith.addi %min3A_3, %add3A_26 : i32
    %dma_start3A_28 = arith.constant 0 : i32
    %dma_start3A_29 = arith.constant 1664 : i32
    %dma_start3A_30 = tpu.memref_slice %arg10[%dma_start3A_29] : memref<3200xf32, #tpu.memory_space<vmem>> -> memref<1536xf32, #tpu.memory_space<vmem>>
    %dma_start3A_31 = tpu.memref_slice %arg2[%dma_start3A_28, %add3A_27] : memref<1x100000xf32, #tpu.memory_space<hbm>> -> memref<1x1536xf32, #tpu.memory_space<hbm>>
    %dma_start3A_32 = tpu.memref_squeeze %dma_start3A_31 : memref<1x1536xf32, #tpu.memory_space<hbm>> -> memref<1536xf32, #tpu.memory_space<hbm>>
    %dma_start3A_33 = arith.constant 1664 : i32
    %dma_start3A_34 = tpu.memref_slice %arg10[%dma_start3A_33] : memref<3200xf32, #tpu.memory_space<vmem>> -> memref<1536xf32, #tpu.memory_space<vmem>>
    %dma_start3A_35 = tpu.memref_slice %arg2[%dma_start3A_28, %add3A_27] : memref<1x100000xf32, #tpu.memory_space<hbm>> -> memref<1x1536xf32, #tpu.memory_space<hbm>>
    %dma_start3A_36 = tpu.memref_squeeze %dma_start3A_35 : memref<1x1536xf32, #tpu.memory_space<hbm>> -> memref<1536xf32, #tpu.memory_space<hbm>>
    tpu.enqueue_dma source(%dma_start3A_36 : memref<1536xf32, #tpu.memory_space<hbm>>) target(%dma_start3A_34 : memref<1536xf32, #tpu.memory_space<vmem>>) target_semaphore(%arg17 : memref<!tpu.dma_semaphore, #tpu.memory_space<semaphore_mem>>)
    tpu.wait_dma2 semaphore(%arg17 : memref<!tpu.dma_semaphore, #tpu.memory_space<semaphore_mem>>) src(%arg4 : memref<64xf32, #tpu.memory_space<hbm>>) dst(%arg12 : memref<64xf32, #tpu.memory_space<vmem>>)
    tpu.wait_dma2 semaphore(%arg17 : memref<!tpu.dma_semaphore, #tpu.memory_space<semaphore_mem>>) src(%arg5 : memref<64xf32, #tpu.memory_space<hbm>>) dst(%arg13 : memref<64xf32, #tpu.memory_space<vmem>>)
    %dma_wait3A = arith.constant 0 : i32
    %dma_wait3A_37 = tpu.memref_slice %arg9[%dma_wait3A] : memref<3200xi32, #tpu.memory_space<vmem>> -> memref<1664xi32, #tpu.memory_space<vmem>>
    %dma_wait3A_38 = tpu.memref_slice %arg3[%min3A_3] : memref<100000xi32, #tpu.memory_space<hbm>> -> memref<1664xi32, #tpu.memory_space<hbm>>
    %dma_wait3A_39 = arith.constant 0 : i32
    %dma_wait3A_40 = tpu.memref_slice %arg9[%dma_wait3A_39] : memref<3200xi32, #tpu.memory_space<vmem>> -> memref<1664xi32, #tpu.memory_space<vmem>>
    %dma_wait3A_41 = tpu.memref_slice %arg3[%min3A_3] : memref<100000xi32, #tpu.memory_space<hbm>> -> memref<1664xi32, #tpu.memory_space<hbm>>
    tpu.wait_dma2 semaphore(%arg17 : memref<!tpu.dma_semaphore, #tpu.memory_space<semaphore_mem>>) src(%dma_wait3A_41 : memref<1664xi32, #tpu.memory_space<hbm>>) dst(%dma_wait3A_40 : memref<1664xi32, #tpu.memory_space<vmem>>)
    %dma_wait3A_42 = arith.constant 0 : i32
    %dma_wait3A_43 = arith.constant 0 : i32
    %dma_wait3A_44 = tpu.memref_slice %arg10[%dma_wait3A_43] : memref<3200xf32, #tpu.memory_space<vmem>> -> memref<1664xf32, #tpu.memory_space<vmem>>
    %dma_wait3A_45 = tpu.memref_slice %arg2[%dma_wait3A_42, %min3A_3] : memref<1x100000xf32, #tpu.memory_space<hbm>> -> memref<1x1664xf32, #tpu.memory_space<hbm>>
    %dma_wait3A_46 = tpu.memref_squeeze %dma_wait3A_45 : memref<1x1664xf32, #tpu.memory_space<hbm>> -> memref<1664xf32, #tpu.memory_space<hbm>>
    %dma_wait3A_47 = arith.constant 0 : i32
    %dma_wait3A_48 = tpu.memref_slice %arg10[%dma_wait3A_47] : memref<3200xf32, #tpu.memory_space<vmem>> -> memref<1664xf32, #tpu.memory_space<vmem>>
    %dma_wait3A_49 = tpu.memref_slice %arg2[%dma_wait3A_42, %min3A_3] : memref<1x100000xf32, #tpu.memory_space<hbm>> -> memref<1x1664xf32, #tpu.memory_space<hbm>>
    %dma_wait3A_50 = tpu.memref_squeeze %dma_wait3A_49 : memref<1x1664xf32, #tpu.memory_space<hbm>> -> memref<1664xf32, #tpu.memory_space<hbm>>
    tpu.wait_dma2 semaphore(%arg17 : memref<!tpu.dma_semaphore, #tpu.memory_space<semaphore_mem>>) src(%dma_wait3A_50 : memref<1664xf32, #tpu.memory_space<hbm>>) dst(%dma_wait3A_48 : memref<1664xf32, #tpu.memory_space<vmem>>)
    %parallel_loop3A = arith.constant 0 : i32
    %parallel_loop3A_51 = arith.constant 1664 : i32
    %parallel_loop3A_52 = arith.constant 16 : i32
    scf.for %parallel_loop3A_73 = %parallel_loop3A to %parallel_loop3A_51 step %parallel_loop3A_52  : i32 {
      %parallel_loop3A_74 = arith.index_cast %parallel_loop3A_73 : i32 to index
      %parallel_loop3A_75 = tpu.vector_load %arg9[%parallel_loop3A_74] {strides = array<i32>} : memref<3200xi32, #tpu.memory_space<vmem>>, vector<16xi32>,
      %parallel_loop3A_76 = arith.index_cast %parallel_loop3A_73 : i32 to index
      %parallel_loop3A_77 = tpu.vector_load %arg10[%parallel_loop3A_76] {strides = array<i32>} : memref<3200xf32, #tpu.memory_space<vmem>>, vector<16xf32>,
      %parallel_loop3A_78 = tpu.vector_load_idx %arg12[%parallel_loop3A_75] : memref<64xf32, #tpu.memory_space<vmem>>[vector<16xi32>], vector<16xf32>,
      %parallel_loop3A_79 = tpu.vector_load_idx %arg13[%parallel_loop3A_75] : memref<64xf32, #tpu.memory_space<vmem>>[vector<16xi32>], vector<16xf32>,
      %parallel_loop3A_80 = arith.mulf %parallel_loop3A_79, %parallel_loop3A_77 : vector<16xf32>
      %parallel_loop3A_81 = arith.addf %parallel_loop3A_78, %parallel_loop3A_80 : vector<16xf32>
      %parallel_loop3A_82 = arith.index_cast %parallel_loop3A_73 : i32 to index
      %parallel_loop3A_83 = tpu.vector_load %arg11[%parallel_loop3A_82] {strides = array<i32>} : memref<3200xf32, #tpu.memory_space<vmem>>, vector<16xf32>,
      tpu.vector_store %arg11[%parallel_loop3A_82], %parallel_loop3A_81 {strides = array<i32>} : memref<3200xf32, #tpu.memory_space<vmem>>, vector<16xf32>,
    } {sc.loop_unroll_factor = 4 : i64, sc.parallel_access}
    %dma_wait3A_53 = arith.constant 1664 : i32
    %dma_wait3A_54 = tpu.memref_slice %arg9[%dma_wait3A_53] : memref<3200xi32, #tpu.memory_space<vmem>> -> memref<1536xi32, #tpu.memory_space<vmem>>
    %dma_wait3A_55 = tpu.memref_slice %arg3[%add3A_19] : memref<100000xi32, #tpu.memory_space<hbm>> -> memref<1536xi32, #tpu.memory_space<hbm>>
    %dma_wait3A_56 = arith.constant 1664 : i32
    %dma_wait3A_57 = tpu.memref_slice %arg9[%dma_wait3A_56] : memref<3200xi32, #tpu.memory_space<vmem>> -> memref<1536xi32, #tpu.memory_space<vmem>>
    %dma_wait3A_58 = tpu.memref_slice %arg3[%add3A_19] : memref<100000xi32, #tpu.memory_space<hbm>> -> memref<1536xi32, #tpu.memory_space<hbm>>
    tpu.wait_dma2 semaphore(%arg17 : memref<!tpu.dma_semaphore, #tpu.memory_space<semaphore_mem>>) src(%dma_wait3A_58 : memref<1536xi32, #tpu.memory_space<hbm>>) dst(%dma_wait3A_57 : memref<1536xi32, #tpu.memory_space<vmem>>)
    %dma_wait3A_59 = arith.constant 0 : i32
    %dma_wait3A_60 = arith.constant 1664 : i32
    %dma_wait3A_61 = tpu.memref_slice %arg10[%dma_wait3A_60] : memref<3200xf32, #tpu.memory_space<vmem>> -> memref<1536xf32, #tpu.memory_space<vmem>>
    %dma_wait3A_62 = tpu.memref_slice %arg2[%dma_wait3A_59, %add3A_27] : memref<1x100000xf32, #tpu.memory_space<hbm>> -> memref<1x1536xf32, #tpu.memory_space<hbm>>
    %dma_wait3A_63 = tpu.memref_squeeze %dma_wait3A_62 : memref<1x1536xf32, #tpu.memory_space<hbm>> -> memref<1536xf32, #tpu.memory_space<hbm>>
    %dma_wait3A_64 = arith.constant 1664 : i32
    %dma_wait3A_65 = tpu.memref_slice %arg10[%dma_wait3A_64] : memref<3200xf32, #tpu.memory_space<vmem>> -> memref<1536xf32, #tpu.memory_space<vmem>>
    %dma_wait3A_66 = tpu.memref_slice %arg2[%dma_wait3A_59, %add3A_27] : memref<1x100000xf32, #tpu.memory_space<hbm>> -> memref<1x1536xf32, #tpu.memory_space<hbm>>
    %dma_wait3A_67 = tpu.memref_squeeze %dma_wait3A_66 : memref<1x1536xf32, #tpu.memory_space<hbm>> -> memref<1536xf32, #tpu.memory_space<hbm>>
    tpu.wait_dma2 semaphore(%arg17 : memref<!tpu.dma_semaphore, #tpu.memory_space<semaphore_mem>>) src(%dma_wait3A_67 : memref<1536xf32, #tpu.memory_space<hbm>>) dst(%dma_wait3A_65 : memref<1536xf32, #tpu.memory_space<vmem>>)
    %parallel_loop3A_68 = arith.constant 1664 : i32
    %parallel_loop3A_69 = arith.constant 3200 : i32
    %parallel_loop3A_70 = arith.constant 16 : i32
    scf.for %parallel_loop3A_73 = %parallel_loop3A_68 to %parallel_loop3A_69 step %parallel_loop3A_70  : i32 {
      %parallel_loop3A_74 = arith.index_cast %parallel_loop3A_73 : i32 to index
      %parallel_loop3A_75 = tpu.vector_load %arg9[%parallel_loop3A_74] {strides = array<i32>} : memref<3200xi32, #tpu.memory_space<vmem>>, vector<16xi32>,
      %parallel_loop3A_76 = arith.index_cast %parallel_loop3A_73 : i32 to index
      %parallel_loop3A_77 = tpu.vector_load %arg10[%parallel_loop3A_76] {strides = array<i32>} : memref<3200xf32, #tpu.memory_space<vmem>>, vector<16xf32>,
      %parallel_loop3A_78 = tpu.vector_load_idx %arg12[%parallel_loop3A_75] : memref<64xf32, #tpu.memory_space<vmem>>[vector<16xi32>], vector<16xf32>,
      %parallel_loop3A_79 = tpu.vector_load_idx %arg13[%parallel_loop3A_75] : memref<64xf32, #tpu.memory_space<vmem>>[vector<16xi32>], vector<16xf32>,
      %parallel_loop3A_80 = arith.mulf %parallel_loop3A_79, %parallel_loop3A_77 : vector<16xf32>
      %parallel_loop3A_81 = arith.addf %parallel_loop3A_78, %parallel_loop3A_80 : vector<16xf32>
      %parallel_loop3A_82 = arith.index_cast %parallel_loop3A_73 : i32 to index
      %parallel_loop3A_83 = tpu.vector_load %arg11[%parallel_loop3A_82] {strides = array<i32>} : memref<3200xf32, #tpu.memory_space<vmem>>, vector<16xf32>,
      tpu.vector_store %arg11[%parallel_loop3A_82], %parallel_loop3A_81 {strides = array<i32>} : memref<3200xf32, #tpu.memory_space<vmem>>, vector<16xf32>,
    } {sc.loop_unroll_factor = 4 : i64, sc.parallel_access}
    %run_scoped3A = arith.constant 0 : i32
    "tpu.region"() ({
      %run_scoped3A_73 = tpu.sem_alloc : memref<!tpu.dma_semaphore, #tpu.memory_space<semaphore_mem>>
      %dma_start3A_74 = tpu.memref_slice %arg7[%run_scoped3A, %min3A_3] : memref<1x100000xf32, #tpu.memory_space<hbm>> -> memref<1x3200xf32, #tpu.memory_space<hbm>>
      %dma_start3A_75 = tpu.memref_squeeze %dma_start3A_74 : memref<1x3200xf32, #tpu.memory_space<hbm>> -> memref<3200xf32, #tpu.memory_space<hbm>>
      %dma_start3A_76 = tpu.memref_slice %arg7[%run_scoped3A, %min3A_3] : memref<1x100000xf32, #tpu.memory_space<hbm>> -> memref<1x3200xf32, #tpu.memory_space<hbm>>
      %dma_start3A_77 = tpu.memref_squeeze %dma_start3A_76 : memref<1x3200xf32, #tpu.memory_space<hbm>> -> memref<3200xf32, #tpu.memory_space<hbm>>
      tpu.enqueue_dma source(%arg11 : memref<3200xf32, #tpu.memory_space<vmem>>) target(%dma_start3A_77 : memref<3200xf32, #tpu.memory_space<hbm>>) target_semaphore(%run_scoped3A_73 : memref<!tpu.dma_semaphore, #tpu.memory_space<semaphore_mem>>)
      %dma_wait3A_78 = tpu.memref_slice %arg7[%run_scoped3A, %min3A_3] : memref<1x100000xf32, #tpu.memory_space<hbm>> -> memref<1x3200xf32, #tpu.memory_space<hbm>>
      %dma_wait3A_79 = tpu.memref_squeeze %dma_wait3A_78 : memref<1x3200xf32, #tpu.memory_space<hbm>> -> memref<3200xf32, #tpu.memory_space<hbm>>
      %dma_wait3A_80 = tpu.memref_slice %arg7[%run_scoped3A, %min3A_3] : memref<1x100000xf32, #tpu.memory_space<hbm>> -> memref<1x3200xf32, #tpu.memory_space<hbm>>
      %dma_wait3A_81 = tpu.memref_squeeze %dma_wait3A_80 : memref<1x3200xf32, #tpu.memory_space<hbm>> -> memref<3200xf32, #tpu.memory_space<hbm>>
      tpu.wait_dma2 semaphore(%run_scoped3A_73 : memref<!tpu.dma_semaphore, #tpu.memory_space<semaphore_mem>>) src(%arg11 : memref<3200xf32, #tpu.memory_space<vmem>>) dst(%dma_wait3A_81 : memref<3200xf32, #tpu.memory_space<hbm>>)
      tpu.yield
    }) : () -> ()
    %eq3A = arith.constant 31 : i32
    %eq3A_71 = arith.cmpi eq, %add3A, %eq3A : i32
    %convert_element_type3A = arith.extui %eq3A_71 : i1 to i32
    %cond3A = arith.constant 0 : i32
    %cond3A_72 = arith.cmpi ne, %convert_element_type3A, %cond3A : i32
    scf.if %cond3A_72 {
      %dma_start3A_73 = arith.constant 99968 : i32
      %dma_start3A_74 = tpu.memref_slice %arg3[%dma_start3A_73] : memref<100000xi32, #tpu.memory_space<hbm>> -> memref<32xi32, #tpu.memory_space<hbm>>
      %dma_start3A_75 = arith.constant 99968 : i32
      %dma_start3A_76 = tpu.memref_slice %arg3[%dma_start3A_75] : memref<100000xi32, #tpu.memory_space<hbm>> -> memref<32xi32, #tpu.memory_space<hbm>>
      tpu.enqueue_dma source(%dma_start3A_76 : memref<32xi32, #tpu.memory_space<hbm>>) target(%arg14 : memref<32xi32, #tpu.memory_space<vmem>>) target_semaphore(%arg17 : memref<!tpu.dma_semaphore, #tpu.memory_space<semaphore_mem>>)
      %dma_start3A_77 = arith.constant 0 : i32
      %dma_start3A_78 = arith.constant 0 : i32
      %dma_start3A_79 = tpu.memref_slice %arg6[%dma_start3A_77, %dma_start3A_78] : memref<1x32xf32, #tpu.memory_space<hbm>> -> memref<1x32xf32, #tpu.memory_space<hbm>>
      %dma_start3A_80 = tpu.memref_squeeze %dma_start3A_79 : memref<1x32xf32, #tpu.memory_space<hbm>> -> memref<32xf32, #tpu.memory_space<hbm>>
      %dma_start3A_81 = arith.constant 0 : i32
      %dma_start3A_82 = tpu.memref_slice %arg6[%dma_start3A_77, %dma_start3A_81] : memref<1x32xf32, #tpu.memory_space<hbm>> -> memref<1x32xf32, #tpu.memory_space<hbm>>
      %dma_start3A_83 = tpu.memref_squeeze %dma_start3A_82 : memref<1x32xf32, #tpu.memory_space<hbm>> -> memref<32xf32, #tpu.memory_space<hbm>>
      tpu.enqueue_dma source(%dma_start3A_83 : memref<32xf32, #tpu.memory_space<hbm>>) target(%arg15 : memref<32xf32, #tpu.memory_space<vmem>>) target_semaphore(%arg17 : memref<!tpu.dma_semaphore, #tpu.memory_space<semaphore_mem>>)
      %dma_wait3A_84 = arith.constant 99968 : i32
      %dma_wait3A_85 = tpu.memref_slice %arg3[%dma_wait3A_84] : memref<100000xi32, #tpu.memory_space<hbm>> -> memref<32xi32, #tpu.memory_space<hbm>>
      %dma_wait3A_86 = arith.constant 99968 : i32
      %dma_wait3A_87 = tpu.memref_slice %arg3[%dma_wait3A_86] : memref<100000xi32, #tpu.memory_space<hbm>> -> memref<32xi32, #tpu.memory_space<hbm>>
      tpu.wait_dma2 semaphore(%arg17 : memref<!tpu.dma_semaphore, #tpu.memory_space<semaphore_mem>>) src(%dma_wait3A_87 : memref<32xi32, #tpu.memory_space<hbm>>) dst(%arg14 : memref<32xi32, #tpu.memory_space<vmem>>)
      %dma_wait3A_88 = arith.constant 0 : i32
      %dma_wait3A_89 = arith.constant 0 : i32
      %dma_wait3A_90 = tpu.memref_slice %arg6[%dma_wait3A_88, %dma_wait3A_89] : memref<1x32xf32, #tpu.memory_space<hbm>> -> memref<1x32xf32, #tpu.memory_space<hbm>>
      %dma_wait3A_91 = tpu.memref_squeeze %dma_wait3A_90 : memref<1x32xf32, #tpu.memory_space<hbm>> -> memref<32xf32, #tpu.memory_space<hbm>>
      %dma_wait3A_92 = arith.constant 0 : i32
      %dma_wait3A_93 = tpu.memref_slice %arg6[%dma_wait3A_88, %dma_wait3A_92] : memref<1x32xf32, #tpu.memory_space<hbm>> -> memref<1x32xf32, #tpu.memory_space<hbm>>
      %dma_wait3A_94 = tpu.memref_squeeze %dma_wait3A_93 : memref<1x32xf32, #tpu.memory_space<hbm>> -> memref<32xf32, #tpu.memory_space<hbm>>
      tpu.wait_dma2 semaphore(%arg17 : memref<!tpu.dma_semaphore, #tpu.memory_space<semaphore_mem>>) src(%dma_wait3A_94 : memref<32xf32, #tpu.memory_space<hbm>>) dst(%arg15 : memref<32xf32, #tpu.memory_space<vmem>>)
      %parallel_loop3A_95 = arith.constant 0 : i32
      %parallel_loop3A_96 = arith.constant 32 : i32
      %parallel_loop3A_97 = arith.constant 16 : i32
      scf.for %parallel_loop3A_99 = %parallel_loop3A_95 to %parallel_loop3A_96 step %parallel_loop3A_97  : i32 {
        %parallel_loop3A_100 = arith.index_cast %parallel_loop3A_99 : i32 to index
        %parallel_loop3A_101 = tpu.vector_load %arg14[%parallel_loop3A_100] {strides = array<i32>} : memref<32xi32, #tpu.memory_space<vmem>>, vector<16xi32>,
        %parallel_loop3A_102 = arith.index_cast %parallel_loop3A_99 : i32 to index
        %parallel_loop3A_103 = tpu.vector_load %arg15[%parallel_loop3A_102] {strides = array<i32>} : memref<32xf32, #tpu.memory_space<vmem>>, vector<16xf32>,
        %parallel_loop3A_104 = tpu.vector_load_idx %arg12[%parallel_loop3A_101] : memref<64xf32, #tpu.memory_space<vmem>>[vector<16xi32>], vector<16xf32>,
        %parallel_loop3A_105 = tpu.vector_load_idx %arg13[%parallel_loop3A_101] : memref<64xf32, #tpu.memory_space<vmem>>[vector<16xi32>], vector<16xf32>,
        %parallel_loop3A_106 = arith.mulf %parallel_loop3A_105, %parallel_loop3A_103 : vector<16xf32>
        %parallel_loop3A_107 = arith.addf %parallel_loop3A_104, %parallel_loop3A_106 : vector<16xf32>
        %parallel_loop3A_108 = arith.index_cast %parallel_loop3A_99 : i32 to index
        %parallel_loop3A_109 = tpu.vector_load %arg16[%parallel_loop3A_108] {strides = array<i32>} : memref<32xf32, #tpu.memory_space<vmem>>, vector<16xf32>,
        tpu.vector_store %arg16[%parallel_loop3A_108], %parallel_loop3A_107 {strides = array<i32>} : memref<32xf32, #tpu.memory_space<vmem>>, vector<16xf32>,
      } {sc.loop_unroll_factor = 1 : i64, sc.parallel_access}
      %run_scoped3A_98 = arith.constant 0 : i32
      "tpu.region"() ({
        %run_scoped3A_99 = tpu.sem_alloc : memref<!tpu.dma_semaphore, #tpu.memory_space<semaphore_mem>>
        %dma_start3A_100 = arith.constant 0 : i32
        %dma_start3A_101 = tpu.memref_slice %arg8[%run_scoped3A_98, %dma_start3A_100] : memref<1x32xf32, #tpu.memory_space<hbm>> -> memref<1x32xf32, #tpu.memory_space<hbm>>
        %dma_start3A_102 = tpu.memref_squeeze %dma_start3A_101 : memref<1x32xf32, #tpu.memory_space<hbm>> -> memref<32xf32, #tpu.memory_space<hbm>>
        %dma_start3A_103 = arith.constant 0 : i32
        %dma_start3A_104 = tpu.memref_slice %arg8[%run_scoped3A_98, %dma_start3A_103] : memref<1x32xf32, #tpu.memory_space<hbm>> -> memref<1x32xf32, #tpu.memory_space<hbm>>
        %dma_start3A_105 = tpu.memref_squeeze %dma_start3A_104 : memref<1x32xf32, #tpu.memory_space<hbm>> -> memref<32xf32, #tpu.memory_space<hbm>>
        tpu.enqueue_dma source(%arg16 : memref<32xf32, #tpu.memory_space<vmem>>) target(%dma_start3A_105 : memref<32xf32, #tpu.memory_space<hbm>>) target_semaphore(%run_scoped3A_99 : memref<!tpu.dma_semaphore, #tpu.memory_space<semaphore_mem>>)
        %dma_wait3A_106 = arith.constant 0 : i32
        %dma_wait3A_107 = tpu.memref_slice %arg8[%run_scoped3A_98, %dma_wait3A_106] : memref<1x32xf32, #tpu.memory_space<hbm>> -> memref<1x32xf32, #tpu.memory_space<hbm>>
        %dma_wait3A_108 = tpu.memref_squeeze %dma_wait3A_107 : memref<1x32xf32, #tpu.memory_space<hbm>> -> memref<32xf32, #tpu.memory_space<hbm>>
        %dma_wait3A_109 = arith.constant 0 : i32
        %dma_wait3A_110 = tpu.memref_slice %arg8[%run_scoped3A_98, %dma_wait3A_109] : memref<1x32xf32, #tpu.memory_space<hbm>> -> memref<1x32xf32, #tpu.memory_space<hbm>>
        %dma_wait3A_111 = tpu.memref_squeeze %dma_wait3A_110 : memref<1x32xf32, #tpu.memory_space<hbm>> -> memref<32xf32, #tpu.memory_space<hbm>>
        tpu.wait_dma2 semaphore(%run_scoped3A_99 : memref<!tpu.dma_semaphore, #tpu.memory_space<semaphore_mem>>) src(%arg16 : memref<32xf32, #tpu.memory_space<vmem>>) dst(%dma_wait3A_111 : memref<32xf32, #tpu.memory_space<hbm>>)
        tpu.yield
      }) : () -> ()
    } else {
    }
    return
  }
}

</mosaic_0001>

<sc_bundles>
// kernel: _sc_shift.3.cloned.1.call-start
scs
__scs_entry_jumppad:
0x0: {  	(pc) =	sbr.rel $0x88, $3  }
0x1: {  	(tag) =	ssettag $0x0;
	lr =	simm.s32 $0x1  }
0x2: {  	[smem:$0x3F9C] =	sst lr;
	_ =	strace $0xD0000000  }
0x3: {  	_ = 	snop  }
0x4: {  	_ = 	snop  }
0x5: {  	_ = 	snop  }
0x6: {  	_ = 	snop  }
0x7: {  	_ = 	snop  }
__scs_overlays_trampoline_lowered:
0x8: {  	[smem:$0x3FAB] =	sst s0  }
0x9: {  	[smem:$0x3FAC] =	sst s1  }
0xa: {  	[smem:$0x3FAD] =	sst s2  }
0xb: {  	[smem:$0x3FAE] =	sst s3  }
0xc: {  	[smem:$0x3FAF] =	sst s4  }
0xd: {  	[smem:$0x3FB0] =	sst s5  }
0xe: {  	[smem:$0x3FB1] =	sst s6  }
0xf: {  	[smem:$0x3FB2] =	sst s7  }
0x10: {  	[smem:$0x3FB3] =	sst s8  }
0x11: {  	[smem:$0x3FB4] =	sst s9;
	s0 =	simm.s32 @!p0 $0x0  }
0x12: {  	s1 =	sld [smem:$0x3F9A];
	s0 =	simm.s32 @p0 $0x1  }
0x13: {  	[smem:$0x3FB5] =	sst s0;
	s0 =	simm.s32 @!p1 $0x0  }
0x14: {  	s2 =	sld [smem:$0x3F99];
	s0 =	simm.s32 @p1 $0x1  }
0x15: {  	[smem:$0x3FB6] =	sst s0;
	s0 =	simm.s32 @!p2 $0x0  }
0x16: {  	s3 =	sld [smem:$0x3FDB];
	s0 =	simm.s32 @p2 $0x1  }
0x17: {  	s4 =	simm.s32 $0x1BF5;
	[smem:$0x3FB8] =	sst s0  }
0x18: {  	s0 =	sld [smem:$0x3F9B];
	_ =	swait.ge [sflag:s4], $0x0  }
0x19: {  	s7 =	sld [smem:$0x3F9C]  }
0x1a: {  	s8 =	sadd.s32 $0xFFFFE003, lr  }
0x1b: {  	s9 =	sadd.s32 $0xFFFFFEF7, lr;
	s5 =	simm.s32 $0xFFFFFFFF;
	p2 =	slt.u32 s8, $0xFFFFF086  }
0x1c: {  	p1 =	slt.u32 s9, $0xF7A;
	s5 =	simm.s32 @!p2 $0x0  }
0x1d: {  	s5 =	simm.s32 @p1 $0x1;
	p0 =	seq.s32 s7, s2  }
0x1e: {  	s7 =	smul.u32 @!p0 $0xF7A, s2;
	p2 =	seq.s32 @!p0 s5, $0x0  }
0x1f: {  	s9 =	smul.u32 $0xF7A, s1;
	s8 =	simm.s32 @!p0 $0x1BF5;
	p2 =	por !p2, p0  }
0x20: {  	[sflag:s8] =	ssyncset.s32 @!p0 $0xFFFFF086;
	s6 =	sadd.s32 @!p0 s3, s7;
	s7 =	simm.s32 @!p0 $0x108  }
0x21: {  	s3 =	sadd.s32 s3, s9;
	s6 =	sadd.s32 @!p0 $0x88, s6;
	s7 =	simm.s32 @p2 $0x1082  }
0x22: {  	[simem:s7], [sflag:s8] =	dma.local @!p0 [hbm:s6], $0xF7A  }
0x23: {  	s9 =	sor.u32 $0xD0000000, s2;
	s6 =	simm.s32 $0x108;
	_ =	swait.ge @!p0 [sflag:s8], $0x0  }
0x24: {  	s3 =	sadd.s32 $0x88, s3;
	s6 =	simm.s32 @!p1 $0x1082;
	[sflag:s4] =	ssyncset.s32 $0xFFFFF086  }
0x25: {  	[simem:s6], [sflag:s4] =	dma.local [hbm:s3], $0xF7A  }
0x26: {  	[smem:$0x3F9C] =	sst s1;
	(tag) =	ssettag s2;
	_ =	strace s9  }
0x27: {  	s1 =	sld [smem:$0x3FAC]  }
0x28: {  	s2 =	sld [smem:$0x3FAD]  }
0x29: {  	s4 =	sld [smem:$0x3FAF]  }
0x2a: {  	p0 =	seq.s32 s5, $0x0;
	s5 =	sld [smem:$0x3FB0]  }
0x2b: {  	s6 =	sld [smem:$0x3FB1]  }
0x2c: {  	s7 =	sld [smem:$0x3FB2]  }
0x2d: {  	s3 =	simm.s32 $0x108;
	s8 =	sld [smem:$0x3FB3]  }
0x2e: {  	s3 =	simm.s32 @!p0 $0x1082;
	s9 =	sld [smem:$0x3FB4]  }
0x2f: {  	lr =	sadd.s32 s0, s3;
	s0 =	sld [smem:$0x3FAB]  }
0x30: {  	s3 =	sld [smem:$0x3FAE]  }
0x31: {  	[smem:$0x3FB7] =	sst s10  }
0x32: {  	s10 =	sld [smem:$0x3FB5];
	_ =	sdelay $0x3  }
0x33: {  	p0 =	seq.s32 s10, $0x1;
	s10 =	sld [smem:$0x3FB7];
	_ =	sdelay $0x3  }
0x34: {  	[smem:$0x3FB7] =	sst s10  }
0x35: {  	s10 =	sld [smem:$0x3FB6];
	_ =	sdelay $0x3  }
0x36: {  	p1 =	seq.s32 s10, $0x1;
	s10 =	sld [smem:$0x3FB7];
	_ =	sdelay $0x3  }
0x37: {  	[smem:$0x3FB7] =	sst s10  }
0x38: {  	s10 =	sld [smem:$0x3FB8]  }
0x39: {  	_ = 	snop;
	(pc) =	sbr.ind lr, $3  }
0x3a: {  	_ = 	snop  }
0x3b: {  	_ = 	snop  }
0x3c: {  	p2 =	seq.s32 s10, $0x1;
	s10 =	sld [smem:$0x3FB7]  }
0x3d: {  	_ =	shalt  }
0x3e: {  	_ =	shalt  }
0x3f: {  	_ =	shalt  }
0x40: {  	_ =	shalt  }
0x41: {  	_ =	shalt  }
0x42: {  	_ =	shalt  }
0x43: {  	_ =	shalt  }
0x44: {  	_ =	shalt  }
0x45: {  	_ =	shalt  }
0x46: {  	_ =	shalt  }
0x47: {  	_ =	shalt  }
0x48: {  	_ =	shalt  }
0x49: {  	_ =	shalt  }
0x4a: {  	_ =	shalt  }
0x4b: {  	_ =	shalt  }
0x4c: {  	_ =	shalt  }
0x4d: {  	_ =	shalt  }
0x4e: {  	_ =	shalt  }
0x4f: {  	_ =	shalt  }
0x50: {  	_ =	shalt  }
0x51: {  	_ =	shalt  }
0x52: {  	_ =	shalt  }
0x53: {  	_ =	shalt  }
0x54: {  	_ =	shalt  }
0x55: {  	_ =	shalt  }
0x56: {  	_ =	shalt  }
0x57: {  	_ =	shalt  }
0x58: {  	_ =	shalt  }
0x59: {  	_ =	shalt  }
0x5a: {  	_ =	shalt  }
0x5b: {  	_ =	shalt  }
0x5c: {  	_ =	shalt  }
0x5d: {  	_ =	shalt  }
0x5e: {  	_ =	shalt  }
0x5f: {  	_ =	shalt  }
0x60: {  	_ =	shalt  }
0x61: {  	_ =	shalt  }
0x62: {  	_ =	shalt  }
0x63: {  	_ =	shalt  }
0x64: {  	_ =	shalt  }
0x65: {  	_ =	shalt  }
0x66: {  	_ =	shalt  }
0x67: {  	_ =	shalt  }
0x68: {  	_ =	shalt  }
0x69: {  	_ =	shalt  }
0x6a: {  	_ =	shalt  }
0x6b: {  	_ =	shalt  }
0x6c: {  	_ =	shalt  }
0x6d: {  	_ =	shalt  }
0x6e: {  	_ =	shalt  }
0x6f: {  	_ =	shalt  }
0x70: {  	_ =	shalt  }
0x71: {  	_ =	shalt  }
0x72: {  	_ =	shalt  }
0x73: {  	_ =	shalt  }
0x74: {  	_ =	shalt  }
0x75: {  	_ =	shalt  }
0x76: {  	_ =	shalt  }
0x77: {  	_ =	shalt  }
0x78: {  	_ =	shalt  }
0x79: {  	_ =	shalt  }
0x7a: {  	_ =	shalt  }
0x7b: {  	_ =	shalt  }
0x7c: {  	_ =	shalt  }
0x7d: {  	_ =	shalt  }
0x7e: {  	_ =	shalt  }
0x7f: {  	_ =	shalt  }
0x80: {  	_ =	shalt  }
0x81: {  	_ =	shalt  }
0x82: {  	_ =	shalt  }
0x83: {  	_ =	shalt  }
0x84: {  	_ =	shalt  }
0x85: {  	_ =	shalt  }
0x86: {  	_ =	shalt  }
0x87: {  	_ =	shalt  }
.Lfunc_end0:
.L_simem_size_0:
called_computation_lowered:
.L_overlay_start_0:
0x88: {  	s2 =	sld [smem:$0x3FD9]  }
0x89: {  	s3 =	sld [smem:$0x3FFE];
	_ =	sdelay $0x1  }
0x8a: {  	s1 =	srdreg.scid  }
0x8b: {  	s0 =	sand.u32 $0x1, s1  }
0x8c: {  	s15 =	sshll.u32 s0, $0xA;
	s2 =	sadd.s32 s3, s2  }
0x8d: {  	s2 =	sadd.s32 s2, s15  }
0x8e: {  	[smem:$0x3FC3] =	sst s2  }
0x8f: {  	_ = 	snop  }
0x90: {  	s2 =	sld [smem:$0x3FC9]  }
0x91: {  	s16 =	sld [smem:$0x3FC8]  }
0x92: {  	s4 =	sld [smem:$0x3FD0]  }
0x93: {  	s5 =	sld [smem:$0x3FC7]  }
0x94: {  	s6 =	sld [smem:$0x3FC6]  }
0x95: {  	s8 =	simm.s32 $0xA;
	s9 =	simm.s32 $0x10;
	s7 =	sld [smem:$0x3FC5]  }
0x96: {  	[smem:s9], [sflag:s8] =	dma.local [hbm:s4], $0x1  }
0x97: {  	_ =	swait.eq [sflag:s8], $0x1  }
0x98: {  	[sflag:s8] =	ssyncset.done $0x0  }
0x99: {  	s17 =	sld [smem:$0x10];
	[sflag:s8] =	ssyncadd.s32 $0xFFFFFFFF  }
0x9a: {  	s18 =	sld [smem:$0x11];
	(tm) =	ssettm $0x1  }
0x9b: {  	s19 =	sld [smem:$0x3FFB];
	_ =	sdelay $0x3  }
0x9c: {  	_ =	strace s19  }
0x9d: {  	s9 =	sld [smem:$0x3FFC];
	_ =	sdelay $0x3  }
0x9e: {  	_ =	strace s9  }
0x9f: {  	s9 =	sld [smem:$0x3FFD];
	_ =	sdelay $0x3  }
0xa0: {  	_ =	strace s9  }
0xa1: {  	_ =	strace $0x8FFFFFFF  }
0xa2: {  	s20 =	sld [smem:$0x3FDB];
	_ =	sdelay $0x1  }
0xa3: {  	s10 =	simm.s32 $_scs_section_size  }
0xa4: {  	s11 =	simm.s32 $_size__tile_overlayer_lowered;
	s12 =	simm.s32 $_tile_overlayer_lowered  }
0xa5: {  	s23 =	simm.s32 $0x1BFF;
	s22 =	sshll.u32 s12, $0x1;
	s9 =	sadd.s32 s10, s20  }
0xa6: {  	s13 =	simm.s32 $0x0;
	s21 =	sshll.u32 s11, $0x1;
	s11 =	sadd.s32 s22, s9  }
0xa7: {  	[timem:s13], [sflag:s23] =	dma.local [hbm:s11], s21  }
0xa8: {  	_ =	swait.ge [sflag:s23], s21  }
0xa9: {  	s10 =	ssub.s32 $0x0, s21;
	[sflag:s23] =	ssyncset.done $0x0  }
0xaa: {  	[sflag:s23] =	ssyncadd.s32 s10;
	_ =	sdelay $0x1  }
0xab: {  	s24 =	simm.s32 $0x1B8B  }
0xac: {  	_ =	swait.ge [sflag:s24], $0x1  }
0xad: {  	[sflag:s24] =	ssyncset.done $0x0  }
0xae: {  	s25 =	simm.s32 $0x1B8E;
	[sflag:s24] =	ssyncadd.s32 $0xFFFFFFFF  }
0xaf: {  	s26 =	simm.s32 $execute0_lowered;
	[smem:$0x3FD2] =	sst s25  }
0xb0: {  	s10 =	sshll.u32 s26, $0x1;
	_ =	strace $0x80000046;
	[dreg:$0x1] =	wrdreg $0xFFFFFFFF  }
0xb1: {  	s28 =	simm.s32 $_size_execute0_lowered;
	s9 =	sadd.s32 s9, s10;
	[dreg:$0x0] =	wrdreg $0x0  }
0xb2: {  	s10 =	sshll.u32 s28, $0x1;
	[dreg:$0x2] =	wrdreg s9  }
0xb3: {  	[dreg:$0x3] =	wrdreg s10  }
0xb4: {  	[dreg:$0x4] =	wrdreg $0xC0  }
0xb5: {  	_ =	task [dreg:s13], $0x5FFFF  }
0xb6: {  	[dreg:$0x1] =	wrdreg $0xFFFFFFFF  }
0xb7: {  	[dreg:$0x0] =	wrdreg $0x60  }
0xb8: {  	[dreg:$0x2] =	wrdreg s2  }
0xb9: {  	[dreg:$0x3] =	wrdreg s16  }
0xba: {  	[dreg:$0x4] =	wrdreg s5  }
0xbb: {  	[dreg:$0x5] =	wrdreg s6  }
0xbc: {  	[dreg:$0x6] =	wrdreg s7  }
0xbd: {  	[dreg:$0x7] =	wrdreg s17  }
0xbe: {  	[dreg:$0x8] =	wrdreg s18  }
0xbf: {  	[dreg:$0x9] =	wrdreg $0x9  }
0xc0: {  	_ =	task.clear_ibuf [dreg:s13], $0xAFFFF;
	_ =	strace $0x90000046  }
0xc1: {  	s29 =	simm.s32 $0x9;
	_ =	strace $0x80000048  }
0xc2: {  	_ =	swait.ge [sflag:s29], $0x1  }
0xc3: {  	[sflag:s29] =	ssyncadd.s32 $0xFFFFFFFF  }
0xc4: {  	_ =	strace $0x90000048  }
0xc5: {  	_ =	sfence  }
0xc6: {  	s30 =	sld [smem:$0x0];
	_ =	sdelay $0x2  }
0xc7: {  	s31 =	sshll.u32 s1, $0xD;
	s1 =	sshrl.u32 s1, $0x2  }
0xc8: {  	s3 =	sand.u32 $0x4000, s31;
	s1 =	sadd.s32 s1, s30  }
0xc9: {  	s0 =	sor.u32 s3, s0;
	s1 =	sshll.u32 s1, $0x11  }
0xca: {  	s0 =	sor.u32 s1, s0  }
0xcb: {  	s0 =	sadd.s32 $0x8F2B, s0  }
0xcc: {  	[sflag:s0] =	ssyncadd.remote.s32 $0x1  }
0xcd: {  	_ =	sfence.sel $0xFFFF  }
0xce: {  	[dreg:$0x0] =	wrdreg $0xFFFFFFFF;
	(pc) =	sbr.abs _section_cstart, $3  }
0xcf: {  	[dreg:$0x1] =	wrdreg $0xFFFFFFFF  }
0xd0: {  	_ =	task.clear_ibuf [dreg:s13], $0x2FFFF;
	_ =	strace $0x9FFFFFFF  }
0xd1: {  	(tm) =	ssettm $0x7FFFFFFF  }
tec
execute0_lowered:
.L_overlay_start_1:
0x0: {  	(tag) =	ssettag $0x1  }
0x1: {  	s10 =	rddreg [dreg:$0x0]  }
0x2: {  	s12 =	rddreg [dreg:$0x1]  }
0x3: {  	s1 =	rddreg [dreg:$0x2]  }
0x4: {  	s2 =	rddreg [dreg:$0x3]  }
0x5: {  	s3 =	rddreg [dreg:$0x4]  }
0x6: {  	s4 =	srdreg.scid;
	s11 =	rddreg [dreg:$0x5]  }
0x7: {  	s0 =	stileid.u32;
	s5 =	rddreg [dreg:$0x6];
	s6 =	simm.s32 $0x0  }
0x8: {  	s16 =	simm.s32 $0xC80;
	s17 =	simm.s32 $0x680;
	s18 =	simm.s32 $0x1300  }
0x9: {  	s19 =	simm.s32 $0x1;
	s7 =	sand.u32 $0x1, s4;
	s31 =	sshll.u32 s0, $0x1  }
0xa: {  	s21 =	simm.s32 $0x2;
	s22 =	simm.s32 $0x0;
	s20 =	sor.u32 s7, s31  }
0xb: {  	[smem:$0x7FF] =	sst s6;
	s7 =	ssub.s32 $0x2, s7;
	s8 =	smul.u32 $0xC80, s20  }
0xc: {  	s4 =	rddreg [dreg:$0x7];
	_ =	strace $0x80000047;
	s9 =	sshrl.u32 s7, $0x1  }
0xd: {  	p0 =	sne.s32 s20, $0x1F;
	s13 =	ssub.s32 s7, s9;
	s8 =	smin.u32 s8, $0x17A00  }
0xe: {  	s20 =	simm.s32 $0x1900;
	s13 =	smax.u32 s13, $0x1;
	s14 =	sshrl.u32 s8, $0x3  }
0xf: {  	s7 =	sadd.s32 s12, s14;
	s8 =	sadd.s32 s10, s14;
	s15 =	sadd.s32 $0xD0, s14  }
0x10: {  	s11 =	sadd.s32 s11, s14;
	s14 =	simm.s32 $0x2580;
	s9 =	sadd.s32 s12, s15  }
0x11: {  	s10 =	sadd.s32 s10, s15;
	s12 =	sadd.s32 $0x30D0, s12;
	s15 =	simm.s32 $0x2600  }
.LBB2_1:
0x12: {  	[tilespmem:s14], [sflag:$0x1] =	stream.linear.gather [hbm4b:s1+s6], $0x80, $0x38;
	[tilespmem:$0x2800] =	vst v63  }
0x13: {  	_ = 	snop  }
0x14: {  	[tilespmem:s15], [sflag:$0x1] =	stream.linear.gather [hbm4b:s2+s6], $0x80, $0x38;
	[tilespmem:$0x2800] =	vst v63  }
0x15: {  	_ = 	snop  }
0x16: {  	[tilespmem:s6], [sflag:$0x1] =	stream.linear.gather [hbm4b:s7+s6], $0x680, $0x38;
	[tilespmem:$0x2800] =	vst v63  }
0x17: {  	_ = 	snop  }
0x18: {  	[tilespmem:s16], [sflag:$0x1] =	stream.linear.gather [hbm4b:s8+s6], $0x680, $0x38;
	[tilespmem:$0x2800] =	vst v63  }
0x19: {  	_ = 	snop  }
0x1a: {  	[tilespmem:s17], [sflag:$0x1] =	stream.linear.gather [hbm4b:s9+s6], $0x600, $0x38;
	[tilespmem:$0x2800] =	vst v63  }
0x1b: {  	_ = 	snop  }
0x1c: {  	[tilespmem:s18], [sflag:$0x1] =	stream.linear.gather [hbm4b:s10+s6], $0x600, $0x38;
	[tilespmem:$0x2800] =	vst v63  }
0x1d: {  	_ =	swait.ge [sflag:s19], $0x80  }
0x1e: {  	[sflag:s19] =	ssyncset.done $0x0  }
0x1f: {  	[sflag:s19] =	ssyncadd.s32 $0xFFFFFF80  }
0x20: {  	_ =	swait.ge [sflag:s19], $0x80  }
0x21: {  	[sflag:s19] =	ssyncset.done $0x0  }
0x22: {  	[sflag:s19] =	ssyncadd.s32 $0xFFFFFF80  }
0x23: {  	_ =	swait.ge [sflag:s19], $0x680  }
0x24: {  	[sflag:s19] =	ssyncset.done $0x0  }
0x25: {  	[sflag:s19] =	ssyncadd.s32 $0xFFFFF980  }
0x26: {  	_ =	swait.ge [sflag:s19], $0x680  }
0x27: {  	[sflag:s19] =	ssyncset.done $0x0  }
0x28: {  	s23 =	simm.s32 $0x20;
	[sflag:s19] =	ssyncadd.s32 $0xFFFFF980  }
0x29: {  	v0 =	vld [tilespmem:s23+$0x10]  }
0x2a: {  	v3 =	vld [tilespmem:s23+$0xFFFFFFE0]  }
0x2b: {  	v4 =	vld [tilespmem:s23+$0xFFFFFFF0]  }
0x2c: {  	s31 =	simm.s32 $0xCA0;
	v5 =	vld [tilespmem:s23+$0x0]  }
0x2d: {  	v7 =	vld [tilespmem:s31+$0x10]  }
0x2e: {  	v12 =	vld [tilespmem:s31+$0xFFFFFFE0]  }
0x2f: {  	s24 =	simm.s32 $0x60;
	v13 =	vld [tilespmem:s31+$0xFFFFFFF0]  }
0x30: {  	v14 =	vld [tilespmem:s24+$0x10]  }
0x31: {  	v1 =	vld [tilespmem:s24+$0x0]  }
0x32: {  	v2 =	vld [tilespmem:s24+$0xFFFFFFE0]  }
0x33: {  	v15 =	vld [tilespmem:s31+$0x0]  }
0x34: {  	v6 =	vld.idx.msk [tilespmem:v0+s15+$0x0], $0xffff  }
0x35: {  	v8 =	vld.idx.msk [tilespmem:v0+s14+$0x0], $0xffff  }
0x36: {  	v9 =	vld.idx.msk [tilespmem:v3+s15+$0x0], $0xffff  }
0x37: {  	v10 =	vld.idx.msk [tilespmem:v4+s15+$0x0], $0xffff  }
0x38: {  	v11 =	vld.idx.msk [tilespmem:v5+s15+$0x0], $0xffff  }
0x39: {  	v0 =	vld [tilespmem:s24+$0xFFFFFFF0]  }
0x3a: {  	v3 =	vld.idx.msk [tilespmem:v3+s14+$0x0], $0xffff  }
0x3b: {  	v16 =	vld.idx.msk [tilespmem:v4+s14+$0x0], $0xffff  }
0x3c: {  	v17 =	vld.idx.msk [tilespmem:v5+s14+$0x0], $0xffff  }
0x3d: {  	v18 =	vld.idx.msk [tilespmem:v14+s15+$0x0], $0xffff;
	s24 =	simm.s32 $0xCE0;
	v4 =	vmul.f32 v6, v7  }
0x3e: {  	v5 =	vmul.f32 v9, v12;
	v9 =	vld [tilespmem:s24+$0x10]  }
0x3f: {  	v6 =	vld.idx.msk [tilespmem:v14+s14+$0x0], $0xffff;
	v7 =	vadd.f32 v4, v8;
	v8 =	vmul.f32 v10, v13  }
0x40: {  	s23 =	simm.s32 $0x1920;
	v10 =	vmul.f32 v11, v15;
	v11 =	vadd.f32 v5, v3;
	v4 =	vld.idx.msk [tilespmem:v2+s15+$0x0], $0xffff  }
0x41: {  	v3 =	vld.idx.msk [tilespmem:v1+s15+$0x0], $0xffff;
	[tilespmem:s23+$0x10] =	vst v7;
	v8 =	vadd.f32 v8, v16  }
0x42: {  	v5 =	vld.idx.msk [tilespmem:v0+s15+$0x0], $0xffff;
	[tilespmem:s23+$0xFFFFFFE0] =	vst v11;
	v10 =	vadd.f32 v10, v17  }
0x43: {  	v7 =	vld [tilespmem:s24+$0xFFFFFFE0];
	v9 =	vmul.f32 v18, v9;
	[tilespmem:s23+$0xFFFFFFF0] =	vst v8  }
0x44: {  	s25 =	simm.s32 $0x40;
	s26 =	simm.s32 $0xA0;
	v8 =	vld [tilespmem:s24+$0xFFFFFFF0];
	[tilespmem:s23+$0x0] =	vst v10  }
.LBB2_2:
0x45: {  	v10 =	vld [tilespmem:s26+$0x10];
	s25 =	sadd.s32 $0x40, s25;
	v6 =	vadd.f32 v9, v6  }
0x46: {  	s23 =	sadd.s32 $0x40, s23;
	v9 =	vld [tilespmem:s26+$0xFFFFFFF0];
	p1 =	slt.u32 s25, $0x640  }
0x47: {  	v11 =	vld [tilespmem:s26+$0x0];
	[tilespmem:s23+$0x10] =	vst v6  }
0x48: {  	v12 =	vld [tilespmem:s26+$0xFFFFFFE0];
	v7 =	vmul.f32 v4, v7  }
0x49: {  	v8 =	vmul.f32 v5, v8;
	v4 =	vld [tilespmem:s24+$0x0]  }
0x4a: {  	v5 =	vld.idx.msk [tilespmem:v2+s14+$0x0], $0xffff  }
0x4b: {  	v13 =	vld.idx.msk [tilespmem:v0+s14+$0x0], $0xffff;
	v0 =	vmov v9  }
0x4c: {  	v9 =	vld.idx.msk [tilespmem:v1+s14+$0x0], $0xffff;
	v1 =	vmov v11  }
0x4d: {  	s24 =	sadd.s32 $0x40, s24;
	v11 =	vld.idx.msk [tilespmem:v10+s15+$0x0], $0xffff;
	v2 =	vmov v12  }
0x4e: {  	v14 =	vld [tilespmem:s24+$0x10];
	v15 =	vmul.f32 v3, v4  }
0x4f: {  	v6 =	vld.idx.msk [tilespmem:v10+s14+$0x0], $0xffff  }
.Ltmp0:
0x50: {  	v7 =	vadd.f32 v7, v5;
	v4 =	vld.idx.msk [tilespmem:v12+s15+$0x0], $0xffff;
	(pc) =	sbr.rel @p1 .LBB2_2-.Ltmp0, $4  }
0x51: {  	v8 =	vadd.f32 v8, v13;
	v5 =	vld.idx.msk [tilespmem:v0+s15+$0x0], $0xffff  }
0x52: {  	v10 =	vadd.f32 v15, v9;
	v3 =	vld.idx.msk [tilespmem:v1+s15+$0x0], $0xffff;
	[tilespmem:s23+$0xFFFFFFE0] =	vst v7  }
0x53: {  	v7 =	vld [tilespmem:s24+$0xFFFFFFE0];
	v9 =	vmul.f32 v11, v14;
	[tilespmem:s23+$0xFFFFFFF0] =	vst v8  }
0x54: {  	s26 =	sadd.s32 $0x40, s26;
	v8 =	vld [tilespmem:s24+$0xFFFFFFF0];
	[tilespmem:s23+$0x0] =	vst v10  }
0x55: {  	_ =	sdelay $0x2  }
0x56: {  	v10 =	vld [tilespmem:s24+$0x0]  }
0x57: {  	v2 =	vld.idx.msk [tilespmem:v2+s14+$0x0], $0xffff  }
0x58: {  	v0 =	vld.idx.msk [tilespmem:v0+s14+$0x0], $0xffff  }
0x59: {  	v1 =	vld.idx.msk [tilespmem:v1+s14+$0x0], $0xffff  }
0x5a: {  	v4 =	vmul.f32 v4, v7  }
0x5b: {  	v6 =	vadd.f32 v9, v6;
	v5 =	vmul.f32 v5, v8  }
0x5c: {  	s23 =	sadd.s32 $0x40, s23;
	v3 =	vmul.f32 v3, v10;
	v2 =	vadd.f32 v4, v2  }
0x5d: {  	[tilespmem:s23+$0x10] =	vst v6;
	v0 =	vadd.f32 v5, v0  }
0x5e: {  	[tilespmem:s23+$0xFFFFFFE0] =	vst v2;
	v1 =	vadd.f32 v3, v1  }
0x5f: {  	[tilespmem:s23+$0xFFFFFFF0] =	vst v0  }
0x60: {  	[tilespmem:s23+$0x0] =	vst v1  }
0x61: {  	_ =	swait.ge [sflag:s19], $0x600  }
0x62: {  	[sflag:s19] =	ssyncset.done $0x0  }
0x63: {  	[sflag:s19] =	ssyncadd.s32 $0xFFFFFA00  }
0x64: {  	_ =	swait.ge [sflag:s19], $0x600  }
0x65: {  	[sflag:s19] =	ssyncset.done $0x0  }
0x66: {  	s29 =	simm.s32 $0x6B0;
	[sflag:s19] =	ssyncadd.s32 $0xFFFFFA00  }
0x67: {  	v0 =	vld [tilespmem:s29+$0x0]  }
0x68: {  	v3 =	vld [tilespmem:s29+$0xFFFFFFD0]  }
0x69: {  	v4 =	vld [tilespmem:s29+$0xFFFFFFE0]  }
0x6a: {  	s30 =	simm.s32 $0x1330;
	v5 =	vld [tilespmem:s29+$0xFFFFFFF0]  }
0x6b: {  	v7 =	vld [tilespmem:s30+$0x0]  }
0x6c: {  	v12 =	vld [tilespmem:s30+$0xFFFFFFD0]  }
0x6d: {  	s31 =	simm.s32 $0x6F0;
	v13 =	vld [tilespmem:s30+$0xFFFFFFE0]  }
0x6e: {  	v14 =	vld [tilespmem:s31+$0x0]  }
0x6f: {  	v1 =	vld [tilespmem:s31+$0xFFFFFFF0]  }
0x70: {  	v2 =	vld [tilespmem:s31+$0xFFFFFFD0]  }
0x71: {  	v15 =	vld [tilespmem:s30+$0xFFFFFFF0]  }
0x72: {  	v6 =	vld.idx.msk [tilespmem:v0+s15+$0x0], $0xffff  }
0x73: {  	v8 =	vld.idx.msk [tilespmem:v0+s14+$0x0], $0xffff  }
0x74: {  	v9 =	vld.idx.msk [tilespmem:v3+s15+$0x0], $0xffff  }
0x75: {  	v10 =	vld.idx.msk [tilespmem:v4+s15+$0x0], $0xffff  }
0x76: {  	v11 =	vld.idx.msk [tilespmem:v5+s15+$0x0], $0xffff  }
0x77: {  	v0 =	vld [tilespmem:s31+$0xFFFFFFE0]  }
0x78: {  	v3 =	vld.idx.msk [tilespmem:v3+s14+$0x0], $0xffff  }
0x79: {  	v16 =	vld.idx.msk [tilespmem:v4+s14+$0x0], $0xffff  }
0x7a: {  	v17 =	vld.idx.msk [tilespmem:v5+s14+$0x0], $0xffff  }
0x7b: {  	s24 =	simm.s32 $0x1370;
	v18 =	vld.idx.msk [tilespmem:v14+s15+$0x0], $0xffff;
	v4 =	vmul.f32 v6, v7  }
0x7c: {  	v5 =	vmul.f32 v9, v12;
	v9 =	vld [tilespmem:s24+$0x0]  }
0x7d: {  	v6 =	vld.idx.msk [tilespmem:v14+s14+$0x0], $0xffff;
	v7 =	vadd.f32 v4, v8;
	v8 =	vmul.f32 v10, v13  }
0x7e: {  	s23 =	simm.s32 $0x1FB0;
	v10 =	vmul.f32 v11, v15;
	v11 =	vadd.f32 v5, v3;
	v4 =	vld.idx.msk [tilespmem:v2+s15+$0x0], $0xffff  }
0x7f: {  	v3 =	vld.idx.msk [tilespmem:v1+s15+$0x0], $0xffff;
	[tilespmem:s23+$0x0] =	vst v7;
	v8 =	vadd.f32 v8, v16  }
0x80: {  	v5 =	vld.idx.msk [tilespmem:v0+s15+$0x0], $0xffff;
	[tilespmem:s23+$0xFFFFFFD0] =	vst v11;
	v10 =	vadd.f32 v10, v17  }
0x81: {  	v7 =	vld [tilespmem:s24+$0xFFFFFFD0];
	v9 =	vmul.f32 v18, v9;
	[tilespmem:s23+$0xFFFFFFE0] =	vst v8  }
0x82: {  	s25 =	simm.s32 $0x6C0;
	s26 =	simm.s32 $0x730;
	v8 =	vld [tilespmem:s24+$0xFFFFFFE0];
	[tilespmem:s23+$0xFFFFFFF0] =	vst v10  }
.LBB2_4:
0x83: {  	v10 =	vld [tilespmem:s26+$0x0];
	s25 =	sadd.s32 $0x40, s25;
	v6 =	vadd.f32 v9, v6  }
0x84: {  	s23 =	sadd.s32 $0x40, s23;
	v9 =	vld [tilespmem:s26+$0xFFFFFFE0];
	p1 =	slt.u32 s25, $0xC40  }
0x85: {  	v11 =	vld [tilespmem:s26+$0xFFFFFFF0];
	[tilespmem:s23+$0x0] =	vst v6  }
0x86: {  	v12 =	vld [tilespmem:s26+$0xFFFFFFD0];
	v7 =	vmul.f32 v4, v7  }
0x87: {  	v8 =	vmul.f32 v5, v8;
	v4 =	vld [tilespmem:s24+$0xFFFFFFF0]  }
0x88: {  	v5 =	vld.idx.msk [tilespmem:v2+s14+$0x0], $0xffff  }
0x89: {  	v13 =	vld.idx.msk [tilespmem:v0+s14+$0x0], $0xffff;
	v0 =	vmov v9  }
0x8a: {  	v9 =	vld.idx.msk [tilespmem:v1+s14+$0x0], $0xffff;
	v1 =	vmov v11  }
0x8b: {  	s24 =	sadd.s32 $0x40, s24;
	v11 =	vld.idx.msk [tilespmem:v10+s15+$0x0], $0xffff;
	v2 =	vmov v12  }
0x8c: {  	v14 =	vld [tilespmem:s24+$0x0];
	v15 =	vmul.f32 v3, v4  }
0x8d: {  	v6 =	vld.idx.msk [tilespmem:v10+s14+$0x0], $0xffff  }
.Ltmp1:
0x8e: {  	v7 =	vadd.f32 v7, v5;
	v4 =	vld.idx.msk [tilespmem:v12+s15+$0x0], $0xffff;
	(pc) =	sbr.rel @p1 .LBB2_4-.Ltmp1, $4  }
0x8f: {  	v8 =	vadd.f32 v8, v13;
	v5 =	vld.idx.msk [tilespmem:v0+s15+$0x0], $0xffff  }
0x90: {  	v10 =	vadd.f32 v15, v9;
	v3 =	vld.idx.msk [tilespmem:v1+s15+$0x0], $0xffff;
	[tilespmem:s23+$0xFFFFFFD0] =	vst v7  }
0x91: {  	v7 =	vld [tilespmem:s24+$0xFFFFFFD0];
	v9 =	vmul.f32 v11, v14;
	[tilespmem:s23+$0xFFFFFFE0] =	vst v8  }
0x92: {  	s26 =	sadd.s32 $0x40, s26;
	v8 =	vld [tilespmem:s24+$0xFFFFFFE0];
	[tilespmem:s23+$0xFFFFFFF0] =	vst v10  }
0x93: {  	_ =	sdelay $0x2  }
0x94: {  	v10 =	vld [tilespmem:s24+$0xFFFFFFF0]  }
0x95: {  	v2 =	vld.idx.msk [tilespmem:v2+s14+$0x0], $0xffff  }
0x96: {  	v0 =	vld.idx.msk [tilespmem:v0+s14+$0x0], $0xffff  }
0x97: {  	v1 =	vld.idx.msk [tilespmem:v1+s14+$0x0], $0xffff  }
0x98: {  	v4 =	vmul.f32 v4, v7  }
0x99: {  	v6 =	vadd.f32 v9, v6;
	v5 =	vmul.f32 v5, v8  }
0x9a: {  	s23 =	sadd.s32 $0x40, s23;
	v3 =	vmul.f32 v3, v10;
	v2 =	vadd.f32 v4, v2  }
0x9b: {  	[tilespmem:s23+$0x0] =	vst v6;
	v0 =	vadd.f32 v5, v0  }
0x9c: {  	[tilespmem:s23+$0xFFFFFFD0] =	vst v2;
	v1 =	vadd.f32 v3, v1  }
0x9d: {  	[tilespmem:s23+$0xFFFFFFE0] =	vst v0  }
0x9e: {  	[tilespmem:s23+$0xFFFFFFF0] =	vst v1  }
0x9f: {  	[hbm4b:s11+s6] =	stream.linear.scatter [tilespmem:s20], [sflag:$0x2], $0xC80, $0x38;
	[tilespmem:$0x2800] =	vst v63  }
0xa0: {  	_ =	swait.ge [sflag:s21], $0xC80  }
0xa1: {  	[sflag:s21] =	ssyncset.done $0x0  }
0xa2: {  	s24 =	simm.s32 @!p0 $0x2680;
	s23 =	simm.s32 @!p0 $0x0;
	[sflag:s21] =	ssyncadd.s32 $0xFFFFF380  }
0xa3: {  	[tilespmem:s24], [sflag:$0x1] =	stream.linear.gather @!p0 [hbm4b:s12+s23], $0x20, $0x38;
	[tilespmem:$0x2800] =	vst v63  }
0xa4: {  	s24 =	simm.s32 @!p0 $0x2700  }
0xa5: {  	[tilespmem:s24], [sflag:$0x1] =	stream.linear.gather @!p0 [hbm4b:s3+s23], $0x80, $0x38;
	[tilespmem:$0x2800] =	vst v63  }
0xa6: {  	s24 =	simm.s32 @!p0 $0x1  }
0xa7: {  	_ =	swait.ge @!p0 [sflag:s24], $0x20  }
0xa8: {  	[sflag:s24] =	ssyncset.done @!p0 $0x0  }
0xa9: {  	[sflag:s24] =	ssyncadd.s32 @!p0 $0xFFFFFFE0  }
0xaa: {  	_ =	swait.ge @!p0 [sflag:s24], $0x80  }
0xab: {  	[sflag:s24] =	ssyncset.done @!p0 $0x0  }
0xac: {  	[sflag:s24] =	ssyncadd.s32 @!p0 $0xFFFFFF80  }
0xad: {  	v0 =	vld @!p0 [tilespmem:$0x2680];
	_ =	sdelay $0x6  }
0xae: {  	s24 =	simm.s32 @!p0 $0x2600;
	v1 =	vld @!p0 [tilespmem:$0x2700]  }
0xaf: {  	v2 =	vld.idx.msk @!p0 [tilespmem:v0+s24+$0x0], $0xffff  }
0xb0: {  	s25 =	simm.s32 @!p0 $0x2580;
	v3 =	vld @!p0 [tilespmem:$0x2690]  }
0xb1: {  	v0 =	vld.idx.msk @!p0 [tilespmem:v0+s25+$0x0], $0xffff;
	_ =	sdelay $0x2  }
0xb2: {  	v1 =	vmul.f32 @!p0 v2, v1;
	_ =	sdelay $0x1  }
0xb3: {  	v0 =	vadd.f32 @!p0 v1, v0;
	_ =	sdelay $0x1  }
0xb4: {  	[tilespmem:$0x2780] =	vst @!p0 v0;
	v0 =	vld @!p0 [tilespmem:$0x2710]  }
0xb5: {  	v1 =	vld.idx.msk @!p0 [tilespmem:v3+s24+$0x0], $0xffff;
	_ =	sdelay $0x1  }
0xb6: {  	v2 =	vld.idx.msk @!p0 [tilespmem:v3+s25+$0x0], $0xffff;
	_ =	sdelay $0x2  }
0xb7: {  	v0 =	vmul.f32 @!p0 v1, v0;
	_ =	sdelay $0x1  }
0xb8: {  	v0 =	vadd.f32 @!p0 v0, v2  }
0xb9: {  	s22 =	sadd.s32 $0x1, s22  }
0xba: {  	p1 =	sne.s32 s22, s13;
	s24 =	simm.s32 @!p0 $0x2780;
	[tilespmem:$0x2790] =	vst @!p0 v0  }
0xbb: {  	[hbm4b:s5+s23] =	stream.linear.scatter @!p0 [tilespmem:s24], [sflag:$0x2], $0x80, $0x38;
	[tilespmem:$0x2800] =	vst v63  }
.Ltmp2:
0xbc: {  	_ = 	snop;
	(pc) =	sbr.rel @p1 .LBB2_1-.Ltmp2, $4  }
0xbd: {  	s23 =	simm.s32 @!p0 $0x2  }
0xbe: {  	_ =	swait.ge @!p0 [sflag:s23], $0x80  }
0xbf: {  	[sflag:s23] =	ssyncset.done @!p0 $0x0  }
0xc0: {  	[sflag:s23] =	ssyncadd.s32 @!p0 $0xFFFFFF80  }
0xc1: {  	_ =	sfence.sel $0x180000  }
0xc2: {  	[bflag:$0x0] =	sbarrier.arrive $0xFFFF  }
0xc3: {  	p0 =	sne.s32 s0, $0x0;
	_ =	strace $0x90000047  }
0xc4: {  	s0 =	sadd.s32 @!p0 $0x100000, s4;
	[bflag:$0x2] =	sbarrier.arrive $0xFFFF  }
0xc5: {  	[sflag:s0] =	ssyncadd.tile.s32 @!p0 $0x1;
	_ =	shalt  }
.Lfunc_end2:
_tile_overlayer_lowered:
.L_overlay_start_2:
0xc6: {  	(tag) =	ssettag $0x2  }
0xc7: {  	s0 =	rddreg [dreg:$0x0];
	s2 =	stileid.u32  }
0xc8: {  	s1 =	rddreg [dreg:$0x1];
	p0 =	sne.s32 s2, $0x0  }
0xc9: {  	s3 =	rddreg [dreg:$0x2];
	[bflag:$0x3] =	sbarrier.arrive $0xFFFF;
	s2 =	simm.s32 @!p0 $0x1C02  }
0xca: {  	[timem:s3], [sflag:s2] =	dma.local @!p0 [hbm:s0], s1  }
0xcb: {  	s0 =	simm.s32 @!p0 $0x2  }
0xcc: {  	_ =	swait.ge @!p0 [sflag:s0], s1  }
0xcd: {  	s1 =	ssub.s32 @!p0 $0x0, s1;
	[sflag:s0] =	ssyncset.done @!p0 $0x0  }
0xce: {  	[sflag:s0] =	ssyncadd.s32 @!p0 s1  }
0xcf: {  	[bflag:$0x3] =	sbarrier.arrive $0xFFFF  }
0xd0: {  	_ =	shalt  }

</sc_bundles>
